<compile_context>
chip_gen: v7x
topology: tpu7x:2x2x1
jax: 0.10.2.dev20260603
libtpu: 0.0.44.dev20260713+nightly
codegen_flags: <defaults>
</compile_context>

<pallas_src>
import jax
import jax.numpy as jnp
from jax.experimental import pallas as pl
from jax.experimental.pallas import tpu as pltpu

_BK = 896
_D_IN = 12544
_NK = _D_IN // _BK
_TOPK = 1000


def _fc1_body(A_ref, W1_ref, b1_ref, x1_ref):
    k = pl.program_id(0)

    @pl.when(k == 0)
    def _init():
        x1_ref[...] = jnp.zeros_like(x1_ref)

    x1_ref[...] += jnp.dot(A_ref[...], W1_ref[...],
                           preferred_element_type=jnp.float32)

    @pl.when(k == _NK - 1)
    def _finish():
        x1_ref[...] = jnp.maximum(x1_ref[...] + b1_ref[...], 0.0)


def _epilogue_body(x1_ref, W2_ref, b2_ref, Wh_ref, bh_ref, sc_ref, pr_ref,
                   out_ref):
    N = x1_ref.shape[0]
    x2 = jnp.maximum(
        jnp.dot(x1_ref[...], W2_ref[...], preferred_element_type=jnp.float32)
        + b2_ref[...], 0.0)
    head = jax.lax.dot_general(
        x2, Wh_ref[...], (((1,), (0,)), ((), ())),
        precision=jax.lax.Precision.HIGHEST,
        preferred_element_type=jnp.float32) + bh_ref[...]

    pt = jnp.transpose(pr_ref[0])
    x0 = pt[0:1, :]
    y0 = pt[1:2, :]
    x1v = pt[2:3, :]
    y1v = pt[3:4, :]
    x2v = pt[4:5, :]
    y2v = pt[5:6, :]
    cx = (x0 + x1v + x2v + pt[6:7, :]) * 0.25
    cy = (y0 + y1v + y2v + pt[7:8, :]) * 0.25
    e1x = x1v - x0
    e1y = y1v - y0
    e2x = x2v - x1v
    e2y = y2v - y1v
    wv = jnp.sqrt(e1x * e1x + e1y * e1y + 1e-8)
    hv = jnp.sqrt(e2x * e2x + e2y * e2y + 1e-8)
    th = jnp.arctan2(e1y, e1x)
    enc = jnp.concatenate([cx, cy, wv, hv, th], axis=0)

    s_row = sc_ref[0]
    s_col = jnp.transpose(s_row)
    jj = jax.lax.broadcasted_iota(jnp.int32, (N, N), 0)
    ii = jax.lax.broadcasted_iota(jnp.int32, (N, N), 1)
    beats = (s_col > s_row) | ((s_col == s_row) & (jj < ii))
    rank = jnp.sum(beats.astype(jnp.int32), axis=0, keepdims=True)
    P = (rank == jj).astype(jnp.float32)
    out16 = jax.lax.dot_general(
        P, head, (((1,), (0,)), ((), ())),
        precision=jax.lax.Precision.HIGHEST,
        preferred_element_type=jnp.float32)
    oenc = jax.lax.dot_general(
        P, enc, (((1,), (1,)), ((), ())),
        precision=jax.lax.Precision.HIGHEST,
        preferred_element_type=jnp.float32)
    pad = jnp.zeros((N, 11), jnp.float32)
    out_ref[0] = jnp.concatenate([out16, oenc, pad], axis=1)


def kernel(feat, scores, proposals, W1, b1, W2, b2, Wc, bc, Wr, br):
    B, N = scores.shape
    d_in = W1.shape[0]
    d_hid = W1.shape[1]
    A = feat.reshape(B * N, d_in)
    props = proposals.reshape(B, N, 8)
    Wh = jnp.concatenate([Wc, Wr], axis=1)
    bh = jnp.concatenate([bc, br])[None, :]
    k = min(_TOPK, N)

    x1 = pl.pallas_call(
        _fc1_body,
        grid=(_NK,),
        in_specs=[
            pl.BlockSpec((B * N, _BK), lambda i: (0, i)),
            pl.BlockSpec((_BK, d_hid), lambda i: (i, 0)),
            pl.BlockSpec((1, d_hid), lambda i: (0, 0)),
        ],
        out_specs=pl.BlockSpec((B * N, d_hid), lambda i: (0, 0)),
        out_shape=jax.ShapeDtypeStruct((B * N, d_hid), jnp.float32),
        compiler_params=pltpu.CompilerParams(
            dimension_semantics=("arbitrary",)),
    )(A, W1, b1[None, :])

    out = pl.pallas_call(
        _epilogue_body,
        grid=(B,),
        in_specs=[
            pl.BlockSpec((N, d_hid), lambda b: (b, 0)),
            pl.BlockSpec((d_hid, d_hid), lambda b: (0, 0)),
            pl.BlockSpec((1, d_hid), lambda b: (0, 0)),
            pl.BlockSpec((d_hid, 16), lambda b: (0, 0)),
            pl.BlockSpec((1, 16), lambda b: (0, 0)),
            pl.BlockSpec((1, 1, N), lambda b: (b, 0, 0)),
            pl.BlockSpec((1, N, 8), lambda b: (b, 0, 0)),
        ],
        out_specs=pl.BlockSpec((1, N, 32), lambda b: (b, 0, 0)),
        out_shape=jax.ShapeDtypeStruct((B, N, 32), jnp.float32),
        compiler_params=pltpu.CompilerParams(
            dimension_semantics=("arbitrary",)),
    )(x1, W2, b2[None, :], Wh, bh, scores[:, None, :], props)

    return out[:, :k, :21]

# --- scband reference (transcript-rebuilt; emitter-appended) ---
"""Pipeline reference for scband-oriented-rcnnhead-82798379532858 (READ-ONLY COPY).

The authoritative reference and input builder live on the scoring server;
editing this copy changes nothing except your own understanding.
"""

import jax, jax.numpy as jnp
import numpy as np

LEVEL_STRIDES = [4.0, 8.0, 16.0, 32.0]
P_PER_LEVEL = 256
TOPK = 1000


def setup_inputs(seed: int = 0) -> dict:
    key = jax.random.key(seed)
    ks = jax.random.split(key, 12)
    B, N, C, R = 2, 1024, 256, 7
    d_in, d_hid, n_cls = C * R * R, 1024, 10
    feat = jax.random.normal(ks[0], (B, N, C, R, R), dtype=jnp.float32)
    scores = jax.random.uniform(ks[1], (B, N), dtype=jnp.float32)
    proposals = jax.random.uniform(ks[2], (B, N, 4, 2), dtype=jnp.float32) * 100.0
    W1 = jax.random.normal(ks[3], (d_in, d_hid), dtype=jnp.float32) * 0.02
    b1 = jnp.zeros((d_hid,), jnp.float32)
    W2 = jax.random.normal(ks[4], (d_hid, d_hid), dtype=jnp.float32) * 0.02
    b2 = jnp.zeros((d_hid,), jnp.float32)
    Wc = jax.random.normal(ks[5], (d_hid, n_cls + 1), dtype=jnp.float32) * 0.02
    bc = jnp.zeros((n_cls + 1,), jnp.float32)
    Wr = jax.random.normal(ks[6], (d_hid, 5), dtype=jnp.float32) * 0.02
    br = jnp.zeros((5,), jnp.float32)
    return {"feat": feat, "scores": scores, "proposals": proposals,
            "W1": W1, "b1": b1, "W2": W2, "b2": b2,
            "Wc": Wc, "bc": bc, "Wr": Wr, "br": br}


def encode_vertices_to_theta(v):
    # v: [..., 4, 2] oriented box vertices -> (cx, cy, w, h, theta)
    cxy = jnp.mean(v, axis=-2)
    e1 = v[..., 1, :] - v[..., 0, :]
    e2 = v[..., 2, :] - v[..., 1, :]
    w = jnp.sqrt(jnp.sum(e1 * e1, axis=-1) + 1e-8)
    h = jnp.sqrt(jnp.sum(e2 * e2, axis=-1) + 1e-8)
    theta = jnp.arctan2(e1[..., 1], e1[..., 0])
    return jnp.concatenate([cxy, w[..., None], h[..., None], theta[..., None]], axis=-1)


def reference(feat, scores, proposals, W1, b1, W2, b2, Wc, bc, Wr, br):
    B, N = scores.shape
    # per-level stride tags for the merged proposal list
    strides = jnp.repeat(jnp.asarray(LEVEL_STRIDES, jnp.float32), P_PER_LEVEL)
    # flatten_levels: top-k selection over merged objectness scores (per image)
    k = min(TOPK, N)
    top_scores, keep = jax.lax.top_k(scores, k)
    flat_feat = jnp.take_along_axis(feat.reshape(B, N, -1), keep[..., None], axis=1)
    flat_props = jnp.take_along_axis(proposals.reshape(B, N, 8), keep[..., None], axis=1).reshape(B, k, 4, 2)
    flat_strides = strides[keep]
    # fc trunk: Flatten(start_dim=2) -> Linear -> ReLU -> Linear -> ReLU
    x = jax.nn.relu(flat_feat @ W1 + b1)
    x = jax.nn.relu(x @ W2 + b2)
    classification = x @ Wc + bc
    regression = x @ Wr + br
    # encode kept proposals VERTICES -> THETA_FORMAT (cx,cy,w,h,theta)
    enc = encode_vertices_to_theta(flat_props)
    out = jnp.concatenate([classification, regression, enc], axis=-1)
    return out

if __name__ == "__main__":
    import jax
    _d = setup_inputs()
    print(jax.jit(kernel)(*tuple(_d.values())))

</pallas_src>

<mosaic_0001>
module attributes {stable_mosaic.version = 14 : i64} {
  func.func @_fc1_body(%arg0: i32, %arg1: memref<2048x896xf32, #tpu.memory_space<vmem>>, %arg2: memref<896x1024xf32, #tpu.memory_space<vmem>>, %arg3: memref<1x1024xf32, #tpu.memory_space<vmem>>, %arg4: memref<2048x1024xf32, #tpu.memory_space<vmem>>) attributes {dimension_semantics = [#tpu.dimension_semantics<arbitrary>], iteration_bounds = array<i64: 14>, scalar_prefetch = 0 : i64, scratch_operands = 0 : i64, tpu.core_type = #tpu.core_type<tc>, window_params = [{transform_indices = @transform_0, window_bounds = array<i64: 2048, 896>}, {transform_indices = @transform_1, window_bounds = array<i64: 896, 1024>}, {pipeline_mode = #tpu.pipeline_mode<synchronous>, transform_indices = @transform_2, window_bounds = array<i64: 1, 1024>}, {pipeline_mode = #tpu.pipeline_mode<synchronous>, transform_indices = @transform_3, window_bounds = array<i64: 2048, 1024>}]} {
    %eq3A = arith.constant 0 : i32
    %eq3A_0 = arith.cmpi eq, %arg0, %eq3A : i32
    %convert_element_type3A = arith.extui %eq3A_0 : i1 to i32
    %cond3A = arith.constant 0 : i32
    %cond3A_1 = arith.cmpi ne, %convert_element_type3A, %cond3A : i32
    scf.if %cond3A_1 {
      %broadcast_in_dim3A = arith.constant 0.000000e+00 : f32
      %broadcast_in_dim3A_18 = vector.broadcast %broadcast_in_dim3A : f32 to vector<2048x1024xf32>
      %swap3A_19 = arith.constant 0 : index
      %swap3A_20 = arith.constant 0 : index
      %swap3A_21 = vector.load %arg4[%swap3A_19, %swap3A_20] : memref<2048x1024xf32, #tpu.memory_space<vmem>>, vector<2048x1024xf32>
      tpu.vector_store %arg4[%swap3A_19, %swap3A_20], %broadcast_in_dim3A_18 {strides = array<i32>} : memref<2048x1024xf32, #tpu.memory_space<vmem>>, vector<2048x1024xf32>,
    } else {
    }
    %get3A = arith.constant 0 : index
    %get3A_2 = arith.constant 0 : index
    %get3A_3 = vector.load %arg4[%get3A, %get3A_2] : memref<2048x1024xf32, #tpu.memory_space<vmem>>, vector<2048x1024xf32>
    %get3A_4 = arith.constant 0 : index
    %get3A_5 = arith.constant 0 : index
    %get3A_6 = vector.load %arg1[%get3A_4, %get3A_5] : memref<2048x896xf32, #tpu.memory_space<vmem>>, vector<2048x896xf32>
    %get3A_7 = arith.constant 0 : index
    %get3A_8 = arith.constant 0 : index
    %get3A_9 = vector.load %arg2[%get3A_7, %get3A_8] : memref<896x1024xf32, #tpu.memory_space<vmem>>, vector<896x1024xf32>
    %dot_general3A = arith.constant dense<0.000000e+00> : vector<2048x1024xf32>
    %dot_general3A_10 = tpu.matmul %get3A_6, %get3A_9, %dot_general3A {dimension_numbers = #tpu.dot_dimension_numbers<[1], [0], [0], [1], [0, 0, 1, 1], [], []>, transpose_lhs_hint = false} : vector<2048x896xf32>, vector<896x1024xf32>, vector<2048x1024xf32> -> vector<2048x1024xf32>
    %add3A = arith.addf %get3A_3, %dot_general3A_10 : vector<2048x1024xf32>
    %swap3A = arith.constant 0 : index
    %swap3A_11 = arith.constant 0 : index
    %swap3A_12 = vector.load %arg4[%swap3A, %swap3A_11] : memref<2048x1024xf32, #tpu.memory_space<vmem>>, vector<2048x1024xf32>
    tpu.vector_store %arg4[%swap3A, %swap3A_11], %add3A {strides = array<i32>} : memref<2048x1024xf32, #tpu.memory_space<vmem>>, vector<2048x1024xf32>,
    %eq3A_13 = arith.constant 13 : i32
    %eq3A_14 = arith.cmpi eq, %arg0, %eq3A_13 : i32
    %convert_element_type3A_15 = arith.extui %eq3A_14 : i1 to i32
    %cond3A_16 = arith.constant 0 : i32
    %cond3A_17 = arith.cmpi ne, %convert_element_type3A_15, %cond3A_16 : i32
    scf.if %cond3A_17 {
      %get3A_18 = arith.constant 0 : index
      %get3A_19 = arith.constant 0 : index
      %get3A_20 = vector.load %arg4[%get3A_18, %get3A_19] : memref<2048x1024xf32, #tpu.memory_space<vmem>>, vector<2048x1024xf32>
      %get3A_21 = arith.constant 0 : index
      %get3A_22 = arith.constant 0 : index
      %get3A_23 = vector.load %arg3[%get3A_21, %get3A_22] : memref<1x1024xf32, #tpu.memory_space<vmem>>, vector<1x1024xf32>
      %add3A_24 = vector.broadcast %get3A_23 : vector<1x1024xf32> to vector<2048x1024xf32>
      %add3A_25 = arith.addf %get3A_20, %add3A_24 : vector<2048x1024xf32>
      %max3A = arith.constant 0.000000e+00 : f32
      %max3A_26 = vector.broadcast %max3A : f32 to vector<2048x1024xf32>
      %max3A_27 = arith.maximumf %add3A_25, %max3A_26 : vector<2048x1024xf32>
      %swap3A_28 = arith.constant 0 : index
      %swap3A_29 = arith.constant 0 : index
      %swap3A_30 = vector.load %arg4[%swap3A_28, %swap3A_29] : memref<2048x1024xf32, #tpu.memory_space<vmem>>, vector<2048x1024xf32>
      tpu.vector_store %arg4[%swap3A_28, %swap3A_29], %max3A_27 {strides = array<i32>} : memref<2048x1024xf32, #tpu.memory_space<vmem>>, vector<2048x1024xf32>,
    } else {
    }
    return
  }
  func.func @transform_0(%arg0: i32) -> (i32, i32) {
    %c0_i32 = arith.constant 0 : i32
    %c0_i32_0 = arith.constant 0 : i32
    return %c0_i32, %arg0 : i32, i32
  }
  func.func @transform_1(%arg0: i32) -> (i32, i32) {
    %c0_i32 = arith.constant 0 : i32
    %c0_i32_0 = arith.constant 0 : i32
    return %arg0, %c0_i32 : i32, i32
  }
  func.func @transform_2(%arg0: i32) -> (i32, i32) {
    %c0_i32 = arith.constant 0 : i32
    %c0_i32_0 = arith.constant 0 : i32
    %c0_i32_1 = arith.constant 0 : i32
    return %c0_i32, %c0_i32_0 : i32, i32
  }
  func.func @transform_3(%arg0: i32) -> (i32, i32) {
    %c0_i32 = arith.constant 0 : i32
    %c0_i32_0 = arith.constant 0 : i32
    %c0_i32_1 = arith.constant 0 : i32
    return %c0_i32, %c0_i32_0 : i32, i32
  }
}

module attributes {stable_mosaic.version = 14 : i64} {
  func.func @_epilogue_body(%arg0: i32, %arg1: memref<1024x1024xf32, #tpu.memory_space<vmem>>, %arg2: memref<1024x1024xf32, #tpu.memory_space<vmem>>, %arg3: memref<1x1024xf32, #tpu.memory_space<vmem>>, %arg4: memref<1024x16xf32, #tpu.memory_space<vmem>>, %arg5: memref<1x16xf32, #tpu.memory_space<vmem>>, %arg6: memref<1x1x1024xf32, #tpu.memory_space<vmem>>, %arg7: memref<1x1024x8xf32, #tpu.memory_space<vmem>>, %arg8: memref<1x1024x32xf32, #tpu.memory_space<vmem>>) attributes {dimension_semantics = [#tpu.dimension_semantics<arbitrary>], iteration_bounds = array<i64: 2>, scalar_prefetch = 0 : i64, scratch_operands = 0 : i64, tpu.core_type = #tpu.core_type<tc>, window_params = [{transform_indices = @transform_0, window_bounds = array<i64: 1024, 1024>}, {pipeline_mode = #tpu.pipeline_mode<synchronous>, transform_indices = @transform_1, window_bounds = array<i64: 1024, 1024>}, {pipeline_mode = #tpu.pipeline_mode<synchronous>, transform_indices = @transform_2, window_bounds = array<i64: 1, 1024>}, {pipeline_mode = #tpu.pipeline_mode<synchronous>, transform_indices = @transform_3, window_bounds = array<i64: 1024, 16>}, {pipeline_mode = #tpu.pipeline_mode<synchronous>, transform_indices = @transform_4, window_bounds = array<i64: 1, 16>}, {transform_indices = @transform_5, window_bounds = array<i64: 1, 1, 1024>}, {transform_indices = @transform_6, window_bounds = array<i64: 1, 1024, 8>}, {transform_indices = @transform_7, window_bounds = array<i64: 1, 1024, 32>}]} {
    %get3A = arith.constant 0 : index
    %get3A_0 = arith.constant 0 : index
    %get3A_1 = vector.load %arg1[%get3A, %get3A_0] : memref<1024x1024xf32, #tpu.memory_space<vmem>>, vector<1024x1024xf32>
    %get3A_2 = arith.constant 0 : index
    %get3A_3 = arith.constant 0 : index
    %get3A_4 = vector.load %arg2[%get3A_2, %get3A_3] : memref<1024x1024xf32, #tpu.memory_space<vmem>>, vector<1024x1024xf32>
    %dot_general3A = arith.constant dense<0.000000e+00> : vector<1024x1024xf32>
    %dot_general3A_5 = tpu.matmul %get3A_1, %get3A_4, %dot_general3A {dimension_numbers = #tpu.dot_dimension_numbers<[1], [0], [0], [1], [0, 0, 1, 1], [], []>, transpose_lhs_hint = false} : vector<1024x1024xf32>, vector<1024x1024xf32>, vector<1024x1024xf32> -> vector<1024x1024xf32>
    %get3A_6 = arith.constant 0 : index
    %get3A_7 = arith.constant 0 : index
    %get3A_8 = vector.load %arg3[%get3A_6, %get3A_7] : memref<1x1024xf32, #tpu.memory_space<vmem>>, vector<1x1024xf32>
    %add3A = vector.broadcast %get3A_8 : vector<1x1024xf32> to vector<1024x1024xf32>
    %add3A_9 = arith.addf %dot_general3A_5, %add3A : vector<1024x1024xf32>
    %max3A = arith.constant 0.000000e+00 : f32
    %max3A_10 = vector.broadcast %max3A : f32 to vector<1024x1024xf32>
    %max3A_11 = arith.maximumf %add3A_9, %max3A_10 : vector<1024x1024xf32>
    %get3A_12 = arith.constant 0 : index
    %get3A_13 = arith.constant 0 : index
    %get3A_14 = vector.load %arg4[%get3A_12, %get3A_13] : memref<1024x16xf32, #tpu.memory_space<vmem>>, vector<1024x16xf32>
    %dot_general3A_15 = arith.constant dense<0.000000e+00> : vector<1024x16xf32>
    %dot_general3A_16 = tpu.matmul %max3A_11, %get3A_14, %dot_general3A_15 {dimension_numbers = #tpu.dot_dimension_numbers<[1], [0], [0], [1], [0, 0, 1, 1], [], []>, precision = #tpu.contract_precision<fp32>, transpose_lhs_hint = false} : vector<1024x1024xf32>, vector<1024x16xf32>, vector<1024x16xf32> -> vector<1024x16xf32>
    %get3A_17 = arith.constant 0 : index
    %get3A_18 = arith.constant 0 : index
    %get3A_19 = vector.load %arg5[%get3A_17, %get3A_18] : memref<1x16xf32, #tpu.memory_space<vmem>>, vector<1x16xf32>
    %add3A_20 = vector.broadcast %get3A_19 : vector<1x16xf32> to vector<1024x16xf32>
    %add3A_21 = arith.addf %dot_general3A_16, %add3A_20 : vector<1024x16xf32>
    %get3A_22 = arith.constant 0 : index
    %get3A_23 = arith.constant 0 : index
    %get3A_24 = arith.constant 0 : index
    %get3A_25 = vector.load %arg7[%get3A_22, %get3A_23, %get3A_24] : memref<1x1024x8xf32, #tpu.memory_space<vmem>>, vector<1x1024x8xf32>
    %get3A_26 = vector.shape_cast %get3A_25 : vector<1x1024x8xf32> to vector<1024x8xf32>
    %transpose3A = tpu.transpose %get3A_26, [1, 0] : vector<1024x8xf32> -> vector<8x1024xf32>
    %slice3A = vector.extract_strided_slice %transpose3A {offsets = [0, 0], sizes = [1, 1024], strides = [1, 1]} : vector<8x1024xf32> to vector<1x1024xf32>
    %slice3A_27 = vector.extract_strided_slice %transpose3A {offsets = [1, 0], sizes = [1, 1024], strides = [1, 1]} : vector<8x1024xf32> to vector<1x1024xf32>
    %slice3A_28 = vector.extract_strided_slice %transpose3A {offsets = [2, 0], sizes = [1, 1024], strides = [1, 1]} : vector<8x1024xf32> to vector<1x1024xf32>
    %slice3A_29 = vector.extract_strided_slice %transpose3A {offsets = [3, 0], sizes = [1, 1024], strides = [1, 1]} : vector<8x1024xf32> to vector<1x1024xf32>
    %slice3A_30 = vector.extract_strided_slice %transpose3A {offsets = [4, 0], sizes = [1, 1024], strides = [1, 1]} : vector<8x1024xf32> to vector<1x1024xf32>
    %slice3A_31 = vector.extract_strided_slice %transpose3A {offsets = [5, 0], sizes = [1, 1024], strides = [1, 1]} : vector<8x1024xf32> to vector<1x1024xf32>
    %add3A_32 = arith.addf %slice3A, %slice3A_28 : vector<1x1024xf32>
    %add3A_33 = arith.addf %add3A_32, %slice3A_30 : vector<1x1024xf32>
    %slice3A_34 = vector.extract_strided_slice %transpose3A {offsets = [6, 0], sizes = [1, 1024], strides = [1, 1]} : vector<8x1024xf32> to vector<1x1024xf32>
    %add3A_35 = arith.addf %add3A_33, %slice3A_34 : vector<1x1024xf32>
    %mul3A = arith.constant 2.500000e-01 : f32
    %mul3A_36 = vector.broadcast %mul3A : f32 to vector<1x1024xf32>
    %mul3A_37 = arith.mulf %add3A_35, %mul3A_36 : vector<1x1024xf32>
    %add3A_38 = arith.addf %slice3A_27, %slice3A_29 : vector<1x1024xf32>
    %add3A_39 = arith.addf %add3A_38, %slice3A_31 : vector<1x1024xf32>
    %slice3A_40 = vector.extract_strided_slice %transpose3A {offsets = [7, 0], sizes = [1, 1024], strides = [1, 1]} : vector<8x1024xf32> to vector<1x1024xf32>
    %add3A_41 = arith.addf %add3A_39, %slice3A_40 : vector<1x1024xf32>
    %mul3A_42 = arith.constant 2.500000e-01 : f32
    %mul3A_43 = vector.broadcast %mul3A_42 : f32 to vector<1x1024xf32>
    %mul3A_44 = arith.mulf %add3A_41, %mul3A_43 : vector<1x1024xf32>
    %sub3A = arith.subf %slice3A_28, %slice3A : vector<1x1024xf32>
    %sub3A_45 = arith.subf %slice3A_29, %slice3A_27 : vector<1x1024xf32>
    %sub3A_46 = arith.subf %slice3A_30, %slice3A_28 : vector<1x1024xf32>
    %sub3A_47 = arith.subf %slice3A_31, %slice3A_29 : vector<1x1024xf32>
    %mul3A_48 = arith.mulf %sub3A, %sub3A : vector<1x1024xf32>
    %mul3A_49 = arith.mulf %sub3A_45, %sub3A_45 : vector<1x1024xf32>
    %add3A_50 = arith.addf %mul3A_48, %mul3A_49 : vector<1x1024xf32>
    %add3A_51 = arith.constant 9.99999993E-9 : f32
    %add3A_52 = vector.broadcast %add3A_51 : f32 to vector<1x1024xf32>
    %add3A_53 = arith.addf %add3A_50, %add3A_52 : vector<1x1024xf32>
    %sqrt3A = math.sqrt %add3A_53 : vector<1x1024xf32>
    %mul3A_54 = arith.mulf %sub3A_46, %sub3A_46 : vector<1x1024xf32>
    %mul3A_55 = arith.mulf %sub3A_47, %sub3A_47 : vector<1x1024xf32>
    %add3A_56 = arith.addf %mul3A_54, %mul3A_55 : vector<1x1024xf32>
    %add3A_57 = arith.constant 9.99999993E-9 : f32
    %add3A_58 = vector.broadcast %add3A_57 : f32 to vector<1x1024xf32>
    %add3A_59 = arith.addf %add3A_56, %add3A_58 : vector<1x1024xf32>
    %sqrt3A_60 = math.sqrt %add3A_59 : vector<1x1024xf32>
    %atan23A = math.atan2 %sub3A_45, %sub3A : vector<1x1024xf32>
    %concatenate3A = tpu.concatenate %mul3A_37, %mul3A_44, %sqrt3A, %sqrt3A_60, %atan23A in 0 : vector<1x1024xf32>, vector<1x1024xf32>, vector<1x1024xf32>, vector<1x1024xf32>, vector<1x1024xf32> -> vector<5x1024xf32>
    %get3A_61 = arith.constant 0 : index
    %get3A_62 = arith.constant 0 : index
    %get3A_63 = arith.constant 0 : index
    %get3A_64 = vector.load %arg6[%get3A_61, %get3A_62, %get3A_63] : memref<1x1x1024xf32, #tpu.memory_space<vmem>>, vector<1x1x1024xf32>
    %get3A_65 = vector.shape_cast %get3A_64 : vector<1x1x1024xf32> to vector<1x1024xf32>
    %transpose3A_66 = tpu.transpose %get3A_65, [1, 0] : vector<1x1024xf32> -> vector<1024x1xf32>
    %iota3A = tpu.iota {dimensions = array<i32: 0>} : vector<1024x1024xi32>
    %iota3A_67 = tpu.iota {dimensions = array<i32: 1>} : vector<1024x1024xi32>
    %gt3A = vector.broadcast %transpose3A_66 : vector<1024x1xf32> to vector<1024x1024xf32>
    %gt3A_68 = vector.broadcast %get3A_65 : vector<1x1024xf32> to vector<1024x1024xf32>
    %gt3A_69 = arith.cmpf ogt, %gt3A, %gt3A_68 : vector<1024x1024xf32>
    %eq3A = vector.broadcast %transpose3A_66 : vector<1024x1xf32> to vector<1024x1024xf32>
    %eq3A_70 = vector.broadcast %get3A_65 : vector<1x1024xf32> to vector<1024x1024xf32>
    %eq3A_71 = arith.cmpf oeq, %eq3A, %eq3A_70 : vector<1024x1024xf32>
    %lt3A = arith.cmpi slt, %iota3A, %iota3A_67 : vector<1024x1024xi32>
    %and3A = arith.andi %eq3A_71, %lt3A : vector<1024x1024xi1>
    %or3A = arith.ori %gt3A_69, %and3A : vector<1024x1024xi1>
    %convert_element_type3A = arith.extui %or3A : vector<1024x1024xi1> to vector<1024x1024xi32>
    %reduce_sum3A = arith.constant dense<0> : vector<1024xi32>
    %reduce_sum3A_72 = vector.multi_reduction <add>, %convert_element_type3A, %reduce_sum3A [0] : vector<1024x1024xi32> to vector<1024xi32>
    %broadcast_in_dim3A = vector.shape_cast %reduce_sum3A_72 : vector<1024xi32> to vector<1x1024xi32>
    %eq3A_73 = vector.broadcast %broadcast_in_dim3A : vector<1x1024xi32> to vector<1024x1024xi32>
    %eq3A_74 = arith.cmpi eq, %eq3A_73, %iota3A : vector<1024x1024xi32>
    %convert_element_type3A_75 = arith.extui %eq3A_74 : vector<1024x1024xi1> to vector<1024x1024xi32>
    %convert_element_type3A_76 = arith.sitofp %convert_element_type3A_75 : vector<1024x1024xi32> to vector<1024x1024xf32>
    %dot_general3A_77 = arith.constant dense<0.000000e+00> : vector<1024x16xf32>
    %dot_general3A_78 = tpu.matmul %convert_element_type3A_76, %add3A_21, %dot_general3A_77 {dimension_numbers = #tpu.dot_dimension_numbers<[1], [0], [0], [1], [0, 0, 1, 1], [], []>, precision = #tpu.contract_precision<fp32>, transpose_lhs_hint = false} : vector<1024x1024xf32>, vector<1024x16xf32>, vector<1024x16xf32> -> vector<1024x16xf32>
    %dot_general3A_79 = arith.constant dense<0.000000e+00> : vector<1024x5xf32>
    %dot_general3A_80 = tpu.matmul %convert_element_type3A_76, %concatenate3A, %dot_general3A_79 {dimension_numbers = #tpu.dot_dimension_numbers<[1], [1], [0], [0], [0, 0, 1, 0], [], []>, precision = #tpu.contract_precision<fp32>, transpose_lhs_hint = false} : vector<1024x1024xf32>, vector<5x1024xf32>, vector<1024x5xf32> -> vector<1024x5xf32>
    %broadcast_in_dim3A_81 = arith.constant 0.000000e+00 : f32
    %broadcast_in_dim3A_82 = vector.broadcast %broadcast_in_dim3A_81 : f32 to vector<1024x11xf32>
    %concatenate3A_83 = tpu.concatenate %dot_general3A_78, %dot_general3A_80, %broadcast_in_dim3A_82 in 1 : vector<1024x16xf32>, vector<1024x5xf32>, vector<1024x11xf32> -> vector<1024x32xf32>
    %swap3A = arith.constant 0 : index
    %swap3A_84 = arith.constant 0 : index
    %swap3A_85 = arith.constant 0 : index
    %swap3A_86 = vector.load %arg8[%swap3A, %swap3A_84, %swap3A_85] : memref<1x1024x32xf32, #tpu.memory_space<vmem>>, vector<1x1024x32xf32>
    %swap3A_87 = vector.shape_cast %swap3A_86 : vector<1x1024x32xf32> to vector<1024x32xf32>
    %swap3A_88 = vector.shape_cast %concatenate3A_83 : vector<1024x32xf32> to vector<1x1024x32xf32>
    tpu.vector_store %arg8[%swap3A, %swap3A_84, %swap3A_85], %swap3A_88 {strides = array<i32>} : memref<1x1024x32xf32, #tpu.memory_space<vmem>>, vector<1x1024x32xf32>,
    return
  }
  func.func @transform_0(%arg0: i32) -> (i32, i32) {
    %c0_i32 = arith.constant 0 : i32
    %c0_i32_0 = arith.constant 0 : i32
    return %arg0, %c0_i32 : i32, i32
  }
  func.func @transform_1(%arg0: i32) -> (i32, i32) {
    %c0_i32 = arith.constant 0 : i32
    %c0_i32_0 = arith.constant 0 : i32
    %c0_i32_1 = arith.constant 0 : i32
    return %c0_i32, %c0_i32_0 : i32, i32
  }
  func.func @transform_2(%arg0: i32) -> (i32, i32) {
    %c0_i32 = arith.constant 0 : i32
    %c0_i32_0 = arith.constant 0 : i32
    %c0_i32_1 = arith.constant 0 : i32
    return %c0_i32, %c0_i32_0 : i32, i32
  }
  func.func @transform_3(%arg0: i32) -> (i32, i32) {
    %c0_i32 = arith.constant 0 : i32
    %c0_i32_0 = arith.constant 0 : i32
    %c0_i32_1 = arith.constant 0 : i32
    return %c0_i32, %c0_i32_0 : i32, i32
  }
  func.func @transform_4(%arg0: i32) -> (i32, i32) {
    %c0_i32 = arith.constant 0 : i32
    %c0_i32_0 = arith.constant 0 : i32
    %c0_i32_1 = arith.constant 0 : i32
    return %c0_i32, %c0_i32_0 : i32, i32
  }
  func.func @transform_5(%arg0: i32) -> (i32, i32, i32) {
    %c0_i32 = arith.constant 0 : i32
    %c0_i32_0 = arith.constant 0 : i32
    %c0_i32_1 = arith.constant 0 : i32
    return %arg0, %c0_i32, %c0_i32_0 : i32, i32, i32
  }
  func.func @transform_6(%arg0: i32) -> (i32, i32, i32) {
    %c0_i32 = arith.constant 0 : i32
    %c0_i32_0 = arith.constant 0 : i32
    %c0_i32_1 = arith.constant 0 : i32
    return %arg0, %c0_i32, %c0_i32_0 : i32, i32, i32
  }
  func.func @transform_7(%arg0: i32) -> (i32, i32, i32) {
    %c0_i32 = arith.constant 0 : i32
    %c0_i32_0 = arith.constant 0 : i32
    %c0_i32_1 = arith.constant 0 : i32
    return %arg0, %c0_i32, %c0_i32_0 : i32, i32, i32
  }
}

</mosaic_0001>

<sc_bundles>
// kernel: sparse-core-data-format-call.cloned.1.call-start
scs
called_computation_lowered:
.L_overlay_start_0:
0x0: {  	s1 =	sld [smem:$0x3FD9]  }
0x1: {  	s2 =	sld [smem:$0x3FFE];
	_ =	sdelay $0x1  }
0x2: {  	s3 =	srdreg.scid  }
0x3: {  	s0 =	sand.u32 $0x1, s3  }
0x4: {  	s17 =	sshll.u32 s0, $0xA;
	s1 =	sadd.s32 s2, s1  }
0x5: {  	s1 =	sadd.s32 s1, s17  }
0x6: {  	[smem:$0x3FBD] =	sst s1  }
0x7: {  	_ = 	snop  }
0x8: {  	(tm) =	ssettm $0x1  }
0x9: {  	s18 =	sld [smem:$0x3FFB];
	_ =	sdelay $0x3  }
0xa: {  	_ =	strace s18  }
0xb: {  	s1 =	sld [smem:$0x3FFC];
	_ =	sdelay $0x3  }
0xc: {  	_ =	strace s1  }
0xd: {  	s1 =	sld [smem:$0x3FFD];
	_ =	sdelay $0x3  }
0xe: {  	_ =	strace s1  }
0xf: {  	_ =	strace $0x8FFFFFFF  }
0x10: {  	s19 =	sld [smem:$0x3FDB];
	_ =	sdelay $0x1  }
0x11: {  	s20 =	simm.s32 $_scs_section_size  }
0x12: {  	s4 =	simm.s32 $_size__tile_overlayer_lowered;
	s5 =	simm.s32 $_tile_overlayer_lowered  }
0x13: {  	s23 =	simm.s32 $0x1BFF;
	s22 =	sshll.u32 s5, $0x1;
	s1 =	sadd.s32 s20, s19  }
0x14: {  	s6 =	simm.s32 $0x0;
	s21 =	sshll.u32 s4, $0x1;
	s4 =	sadd.s32 s22, s1  }
0x15: {  	[timem:s6], [sflag:s23] =	dma.local [hbm:s4], s21  }
0x16: {  	_ =	swait.ge [sflag:s23], s21  }
0x17: {  	s2 =	ssub.s32 $0x0, s21;
	[sflag:s23] =	ssyncset.done $0x0  }
0x18: {  	[sflag:s23] =	ssyncadd.s32 s2;
	_ =	sdelay $0x1  }
0x19: {  	s24 =	simm.s32 $0x1B8B  }
0x1a: {  	_ =	swait.ge [sflag:s24], $0x1  }
0x1b: {  	[sflag:s24] =	ssyncset.done $0x0  }
0x1c: {  	s26 =	simm.s32 $0x1B8E;
	s25 =	sld [smem:$0x3FFE];
	[sflag:s24] =	ssyncadd.s32 $0xFFFFFFFF  }
0x1d: {  	s27 =	simm.s32 $execute0_lowered;
	[smem:$0x3FD2] =	sst s26  }
0x1e: {  	s4 =	sshll.u32 s27, $0x1;
	_ =	strace $0x80000046;
	[dreg:$0x1] =	wrdreg $0xFFFFFFFF  }
0x1f: {  	s28 =	simm.s32 $_size_execute0_lowered;
	s1 =	sadd.s32 s1, s4;
	[dreg:$0x0] =	wrdreg $0x0  }
0x20: {  	s4 =	sshll.u32 s28, $0x1;
	[dreg:$0x2] =	wrdreg s1  }
0x21: {  	[dreg:$0x3] =	wrdreg s4  }
0x22: {  	[dreg:$0x4] =	wrdreg $0xC0  }
0x23: {  	_ =	task [dreg:s6], $0x5FFFF  }
0x24: {  	[dreg:$0x1] =	wrdreg $0xFFFFFFFF  }
0x25: {  	[dreg:$0x0] =	wrdreg $0x60  }
0x26: {  	[dreg:$0x2] =	wrdreg s25  }
0x27: {  	[dreg:$0x3] =	wrdreg $0x9  }
0x28: {  	_ =	task.clear_ibuf [dreg:s6], $0x4FFFF;
	_ =	strace $0x90000046  }
0x29: {  	s29 =	simm.s32 $0x9;
	_ =	strace $0x80000048  }
0x2a: {  	_ =	swait.ge [sflag:s29], $0x1  }
0x2b: {  	[sflag:s29] =	ssyncadd.s32 $0xFFFFFFFF  }
0x2c: {  	_ =	strace $0x90000048  }
0x2d: {  	_ =	sfence  }
0x2e: {  	s30 =	sld [smem:$0x0];
	_ =	sdelay $0x2  }
0x2f: {  	s31 =	sshll.u32 s3, $0xD;
	s3 =	sshrl.u32 s3, $0x2  }
0x30: {  	s2 =	sand.u32 $0x4000, s31;
	s1 =	sadd.s32 s3, s30  }
0x31: {  	s0 =	sor.u32 s2, s0;
	s1 =	sshll.u32 s1, $0x11  }
0x32: {  	s0 =	sor.u32 s1, s0  }
0x33: {  	s0 =	sadd.s32 $0x8F2B, s0  }
0x34: {  	[sflag:s0] =	ssyncadd.remote.s32 $0x1  }
0x35: {  	_ =	sfence.sel $0xFFFF  }
0x36: {  	[dreg:$0x0] =	wrdreg $0xFFFFFFFF;
	(pc) =	sbr.abs _section_cstart, $3  }
0x37: {  	[dreg:$0x1] =	wrdreg $0xFFFFFFFF  }
0x38: {  	_ =	task.clear_ibuf [dreg:s6], $0x2FFFF;
	_ =	strace $0x9FFFFFFF  }
0x39: {  	(tm) =	ssettm $0x7FFFFFFF  }
tec
execute0_lowered:
.L_overlay_start_1:
0x0: {  	(tag) =	ssettag $0x1  }
0x1: {  	s4 =	rddreg [dreg:$0x0]  }
0x2: {  	s0 =	rddreg [dreg:$0x1];
	_ =	strace $0x80000047;
	s3 =	srdreg.scid  }
.Ltmp0:
0x3: {  	s1 =	stileid.u32;
	s6 =	simm.s32 $0x2;
	(pc) =	sbr.rel .LBB1_1-.Ltmp0, $4  }
0x4: {  	s9 =	simm.s32 $0x0;
	s7 =	simm.s32 $0x0;
	s5 =	sshll.u32 s3, $0x4  }
0x5: {  	s2 =	sadd.s32 $0x1600, s4;
	s3 =	simm.s32 $0x1;
	s5 =	sand.u32 $0x10, s5  }
0x6: {  	s4 =	sadd.s32 $0x311600, s4;
	[sflag:s3] =	ssyncpa.u1 $0x0;
	s5 =	sor.u32 s1, s5  }
0x7: {  	[sflag:s6] =	ssyncpa.u1 $0x0;
	s6 =	simm.s32 $0x0;
	s8 =	smov.u32 s5  }
.LBB1_9:
0x8: {  	s11 =	sadd.s32 $0x20, s8  }
0x9: {  	p0 =	slt.u32 s7, $0x2;
	s7 =	sadd.s32 $0x1, s7;
	p1 =	sgt.s32 s11, $0x61F  }
0xa: {  	s11 =	smov.u32 @p1 s5;
	p1 =	sne.s32 s7, $0x33  }
.Ltmp1:
0xb: {  	_ = 	snop;
	(pc) =	sbr.rel @!p1 .LBB1_10-.Ltmp1, $4  }
0xc: {  	s10 =	simm.s32 @!p0 $0x2  }
0xd: {  	_ =	swait.ge @!p0 [sflag:s10], $0x4000  }
0xe: {  	[sflag:s10] =	ssyncset.done @!p0 $0x0  }
0xf: {  	s9 =	smov.u32 s8;
	s8 =	smov.u32 s11;
	[sflag:s10] =	ssyncadd.s32 @!p0 $0xFFFFC000  }
.LBB1_1:
0x10: {  	p0 =	sgt.u32 s7, $0x30  }
0x11: {  	s10 =	sxor.u32 @!p0 $0xFFFFFFFF, s7  }
0x12: {  	s11 =	sshll.u32 @!p0 s8, $0xB;
	s10 =	sshll.u32 @!p0 s10, $0xE  }
0x13: {  	s12 =	simm.s32 @!p0 $0x0;
	s11 =	sadd.s32 @!p0 s2, s11;
	s10 =	sand.u32 @!p0 $0x4000, s10  }
0x14: {  	[tilespmem:s10], [sflag:$0x1] =	stream.linear.gather @!p0 [hbm4b:s11+s12], $0x4000, $0x38;
	[tilespmem:$0x10000] =	vst v63  }
0x15: {  	p0 =	seq.s32 s7, $0x0  }
0x16: {  	p1 =	seq.s32 @!p0 s7, $0x32  }
0x17: {  	p0 =	por p0, p1  }
.Ltmp2:
0x18: {  	_ = 	snop;
	(pc) =	sbr.rel @p0 .LBB1_9-.Ltmp2, $1  }
0x19: {  	_ =	sdelay $0x3  }
0x1a: {  	_ =	swait.ge [sflag:s3], $0x4000;
	s10 =	sshll.u32 s7, $0xE  }
0x1b: {  	[sflag:s3] =	ssyncset.done $0x0;
	s11 =	sand.u32 $0x4000, s10  }
0x1c: {  	s12 =	simm.s32 $0x0;
	[sflag:s3] =	ssyncadd.s32 $0xFFFFC000;
	s10 =	sor.u32 $0x8000, s11  }
.LBB1_3:
0x1d: {  	s15 =	sshll.u32 s12, $0xB  }
0x1e: {  	s16 =	sshll.u32 s12, $0x7;
	p1 =	por $0x1, $0x1;
	v1 =	vmov s15  }
0x1f: {  	s13 =	sadd.s32 s15, s11;
	s14 =	sadd.s32 s16, s10;
	v0 =	vmov s16;
	s15 =	simm.s32 $0x0  }
.LBB1_4:
0x20: {  	s16 =	sshll.u32 s15, $0x7  }
0x21: {  	s19 =	sadd.s32 s16, s13  }
0x22: {  	v2 =	vmov s19  }
0x23: {  	s18 =	sshll.u32 s15, $0xD;
	p0 =	por p1, p1;
	s17 =	simm.s32 $0x0  }
0x24: {  	p1 =	por $0x1, $0x1;
	s15 =	sadd.s32 s18, s10;
	s16 =	sadd.s32 s16, s11;
	v3 =	vmov s18  }
.LBB1_5:
0x25: {  	s17 =	sshll.u32 s17, $0x3  }
0x26: {  	s18 =	sshra.s32 s17, $0x2  }
0x27: {  	v4 =	vld.idx.msk [tilespmem:v2+s18+$0x0 ss:$0x1], $0xffff;
	s18 =	sadd.s32 s18, s16  }
0x28: {  	v5 =	vld.idx.msk [tilespmem:v1+s18+$0x10 ss:$0x1], $0xffff  }
0x29: {  	v6 =	vld.idx.msk [tilespmem:v1+s18+$0x20 ss:$0x1], $0xffff  }
0x2a: {  	s17 =	sand.u32 $0x3FFFFFF8, s17;
	v7 =	vld.idx.msk [tilespmem:v1+s18+$0x30 ss:$0x1], $0xffff  }
0x2b: {  	s19 =	sadd.s32 s17, s15;
	v8 =	vld.idx.msk [tilespmem:v1+s18+$0x40 ss:$0x1], $0xffff  }
0x2c: {  	s17 =	sadd.s32 s17, s14;
	[tilespmem:v0+s19+$0x0 ss:$0x1] =	vst.idx.msk $0xffff, v4;
	v4 =	vld.idx.msk [tilespmem:v1+s18+$0x50 ss:$0x1], $0xffff  }
0x2d: {  	[tilespmem:v3+s17+$0x10 ss:$0x1] =	vst.idx.msk $0xffff, v5;
	v5 =	vld.idx.msk [tilespmem:v1+s18+$0x60 ss:$0x1], $0xffff  }
0x2e: {  	v49 =	vld.idx.msk [tilespmem:v1+s18+$0x70 ss:$0x1], $0xffff;
	[tilespmem:v3+s17+$0x20 ss:$0x1] =	vst.idx.msk $0xffff, v6  }
0x2f: {  	v50 =	vld.idx.msk [tilespmem:v1+s18+$0x100 ss:$0x1], $0xffff;
	[tilespmem:v3+s17+$0x30 ss:$0x1] =	vst.idx.msk $0xffff, v7  }
0x30: {  	v51 =	vld.idx.msk [tilespmem:v1+s18+$0x110 ss:$0x1], $0xffff;
	[tilespmem:v3+s17+$0x40 ss:$0x1] =	vst.idx.msk $0xffff, v8  }
0x31: {  	[tilespmem:v3+s17+$0x50 ss:$0x1] =	vst.idx.msk $0xffff, v4;
	v4 =	vld.idx.msk [tilespmem:v1+s18+$0x120 ss:$0x1], $0xffff  }
0x32: {  	[tilespmem:v3+s17+$0x60 ss:$0x1] =	vst.idx.msk $0xffff, v5;
	v5 =	vld.idx.msk [tilespmem:v1+s18+$0x130 ss:$0x1], $0xffff  }
0x33: {  	v52 =	vld.idx.msk [tilespmem:v1+s18+$0x140 ss:$0x1], $0xffff;
	[tilespmem:v3+s17+$0x70 ss:$0x1] =	vst.idx.msk $0xffff, v49  }
0x34: {  	v53 =	vld.idx.msk [tilespmem:v1+s18+$0x150 ss:$0x1], $0xffff;
	[tilespmem:v0+s19+$0x400 ss:$0x1] =	vst.idx.msk $0xffff, v50  }
0x35: {  	v54 =	vld.idx.msk [tilespmem:v1+s18+$0x160 ss:$0x1], $0xffff;
	[tilespmem:v3+s17+$0x410 ss:$0x1] =	vst.idx.msk $0xffff, v51  }
0x36: {  	[tilespmem:v3+s17+$0x420 ss:$0x1] =	vst.idx.msk $0xffff, v4;
	v4 =	vld.idx.msk [tilespmem:v1+s18+$0x170 ss:$0x1], $0xffff  }
0x37: {  	[tilespmem:v3+s17+$0x430 ss:$0x1] =	vst.idx.msk $0xffff, v5;
	v5 =	vld.idx.msk [tilespmem:v1+s18+$0x200 ss:$0x1], $0xffff  }
0x38: {  	v55 =	vld.idx.msk [tilespmem:v1+s18+$0x210 ss:$0x1], $0xffff;
	[tilespmem:v3+s17+$0x440 ss:$0x1] =	vst.idx.msk $0xffff, v52  }
0x39: {  	v56 =	vld.idx.msk [tilespmem:v1+s18+$0x220 ss:$0x1], $0xffff;
	[tilespmem:v3+s17+$0x450 ss:$0x1] =	vst.idx.msk $0xffff, v53  }
0x3a: {  	v57 =	vld.idx.msk [tilespmem:v1+s18+$0x230 ss:$0x1], $0xffff;
	[tilespmem:v3+s17+$0x460 ss:$0x1] =	vst.idx.msk $0xffff, v54  }
0x3b: {  	[tilespmem:v3+s17+$0x470 ss:$0x1] =	vst.idx.msk $0xffff, v4;
	v4 =	vld.idx.msk [tilespmem:v1+s18+$0x240 ss:$0x1], $0xffff  }
0x3c: {  	[tilespmem:v0+s19+$0x800 ss:$0x1] =	vst.idx.msk $0xffff, v5;
	v5 =	vld.idx.msk [tilespmem:v1+s18+$0x250 ss:$0x1], $0xffff  }
0x3d: {  	v58 =	vld.idx.msk [tilespmem:v1+s18+$0x260 ss:$0x1], $0xffff;
	[tilespmem:v3+s17+$0x810 ss:$0x1] =	vst.idx.msk $0xffff, v55  }
0x3e: {  	v59 =	vld.idx.msk [tilespmem:v1+s18+$0x270 ss:$0x1], $0xffff;
	[tilespmem:v3+s17+$0x820 ss:$0x1] =	vst.idx.msk $0xffff, v56  }
0x3f: {  	v60 =	vld.idx.msk [tilespmem:v1+s18+$0x300 ss:$0x1], $0xffff;
	[tilespmem:v3+s17+$0x830 ss:$0x1] =	vst.idx.msk $0xffff, v57  }
0x40: {  	[tilespmem:v3+s17+$0x840 ss:$0x1] =	vst.idx.msk $0xffff, v4;
	v4 =	vld.idx.msk [tilespmem:v1+s18+$0x310 ss:$0x1], $0xffff  }
0x41: {  	[tilespmem:v3+s17+$0x850 ss:$0x1] =	vst.idx.msk $0xffff, v5;
	v5 =	vld.idx.msk [tilespmem:v1+s18+$0x320 ss:$0x1], $0xffff  }
0x42: {  	v61 =	vld.idx.msk [tilespmem:v1+s18+$0x330 ss:$0x1], $0xffff;
	[tilespmem:v3+s17+$0x860 ss:$0x1] =	vst.idx.msk $0xffff, v58  }
0x43: {  	v62 =	vld.idx.msk [tilespmem:v1+s18+$0x340 ss:$0x1], $0xffff;
	[tilespmem:v3+s17+$0x870 ss:$0x1] =	vst.idx.msk $0xffff, v59  }
0x44: {  	v63 =	vld.idx.msk [tilespmem:v1+s18+$0x350 ss:$0x1], $0xffff;
	[tilespmem:v0+s19+$0xC00 ss:$0x1] =	vst.idx.msk $0xffff, v60  }
0x45: {  	[tilespmem:v3+s17+$0xC10 ss:$0x1] =	vst.idx.msk $0xffff, v4;
	v4 =	vld.idx.msk [tilespmem:v1+s18+$0x360 ss:$0x1], $0xffff  }
0x46: {  	p2 =	por p1, p1;
	[tilespmem:v3+s17+$0xC20 ss:$0x1] =	vst.idx.msk $0xffff, v5;
	v5 =	vld.idx.msk [tilespmem:v1+s18+$0x370 ss:$0x1], $0xffff  }
.Ltmp3:
0x47: {  	[tilespmem:v3+s17+$0xC30 ss:$0x1] =	vst.idx.msk $0xffff, v61;
	(pc) =	sbr.rel @p2 .LBB1_5-.Ltmp3, $4  }
0x48: {  	[tilespmem:v3+s17+$0xC40 ss:$0x1] =	vst.idx.msk $0xffff, v62  }
0x49: {  	[tilespmem:v3+s17+$0xC50 ss:$0x1] =	vst.idx.msk $0xffff, v63  }
0x4a: {  	[tilespmem:v3+s17+$0xC60 ss:$0x1] =	vst.idx.msk $0xffff, v4  }
0x4b: {  	p1 =	por $0x0, $0x0;
	[tilespmem:v3+s17+$0xC70 ss:$0x1] =	vst.idx.msk $0xffff, v5;
	s17 =	simm.s32 $0x200  }
.Ltmp4:
0x4c: {  	(pc) =	sbr.rel @p0 .LBB1_4-.Ltmp4, $2  }
0x4d: {  	_ =	sdelay $0x2  }
0x4e: {  	s15 =	simm.s32 $0x1;
	p1 =	por $0x0, $0x0  }
0x4f: {  	s12 =	sadd.s32 $0x1, s12  }
0x50: {  	p0 =	sne.s32 s12, $0x8  }
.Ltmp5:
0x51: {  	_ = 	snop;
	(pc) =	sbr.rel @p0 .LBB1_3-.Ltmp5, $1  }
0x52: {  	_ =	sdelay $0x3  }
.Ltmp6:
0x53: {  	(pc) =	sbr.rel .LBB1_9-.Ltmp6, $4  }
0x54: {  	_ = 	snop  }
0x55: {  	s9 =	sshll.u32 s9, $0xB  }
0x56: {  	s9 =	sadd.s32 s4, s9  }
0x57: {  	[hbm4b:s9+s6] =	stream.linear.scatter [tilespmem:s10], [sflag:$0x2], $0x4000, $0x38;
	[tilespmem:$0x10000] =	vst v63  }
.LBB1_10:
0x58: {  	_ =	sfence.sel $0x180000  }
0x59: {  	s2 =	simm.s32 $0x1;
	[bflag:$0x0] =	sbarrier.arrive $0xFFFF  }
0x5a: {  	s31 =	simm.s32 $0x2;
	[sflag:s2] =	ssyncpa.u1 $0x1  }
0x5b: {  	[sflag:s31] =	ssyncpa.u1 $0x1  }
0x5c: {  	p0 =	sne.s32 s1, $0x0;
	_ =	strace $0x90000047  }
0x5d: {  	s0 =	sadd.s32 @!p0 $0x100000, s0;
	[bflag:$0x2] =	sbarrier.arrive $0xFFFF  }
0x5e: {  	[sflag:s0] =	ssyncadd.tile.s32 @!p0 $0x1;
	_ =	shalt  }
.Lfunc_end1:
_tile_overlayer_lowered:
.L_overlay_start_2:
0x5f: {  	(tag) =	ssettag $0x2  }
0x60: {  	s0 =	rddreg [dreg:$0x0];
	s2 =	stileid.u32  }
0x61: {  	s1 =	rddreg [dreg:$0x1];
	p0 =	sne.s32 s2, $0x0  }
0x62: {  	s3 =	rddreg [dreg:$0x2];
	[bflag:$0x3] =	sbarrier.arrive $0xFFFF;
	s2 =	simm.s32 @!p0 $0x1C01  }
0x63: {  	[timem:s3], [sflag:s2] =	dma.local @!p0 [hbm:s0], s1  }
0x64: {  	s0 =	simm.s32 @!p0 $0x1  }
0x65: {  	_ =	swait.ge @!p0 [sflag:s0], s1  }
0x66: {  	s1 =	ssub.s32 @!p0 $0x0, s1;
	[sflag:s0] =	ssyncset.done @!p0 $0x0  }
0x67: {  	[sflag:s0] =	ssyncadd.s32 @!p0 s1  }
0x68: {  	[bflag:$0x3] =	sbarrier.arrive $0xFFFF  }
0x69: {  	_ =	shalt  }

</sc_bundles>
